<compile_context>
chip_gen: v7x
topology: tpu7x:2x2x1
jax: 0.10.2.dev20260603
libtpu: 0.0.44.dev20260713+nightly
codegen_flags: <defaults>
</compile_context>

<pallas_src>
import functools

import numpy as np
import jax
import jax.numpy as jnp
from jax.experimental import pallas as pl
from jax.experimental.pallas import tpu as pltpu

_START_TEMP = 10.0
_MIN_TEMP = 0.1
_N_EPOCHS = 200
_EPS = 1e-20

_BLK = 14336


def _threefry2x32(k0, k1, x0, x1):
    rot0 = (13, 15, 26, 6)
    rot1 = (17, 29, 16, 24)
    ks0 = np.uint32(k0)
    ks1 = np.uint32(k1)
    ks2 = np.uint32(np.uint32(0x1BD11BDA) ^ ks0 ^ ks1)

    def rnd(a, b, r):
        a = (a + b).astype(np.uint32)
        b = ((b << np.uint32(r)) | (b >> np.uint32(32 - r))).astype(np.uint32)
        return a, a ^ b

    x0 = (x0 + ks0).astype(np.uint32)
    x1 = (x1 + ks1).astype(np.uint32)
    for r in rot0:
        x0, x1 = rnd(x0, x1, r)
    x0 = (x0 + ks1).astype(np.uint32)
    x1 = (x1 + ks2 + np.uint32(1)).astype(np.uint32)
    for r in rot1:
        x0, x1 = rnd(x0, x1, r)
    x0 = (x0 + ks2).astype(np.uint32)
    x1 = (x1 + ks0 + np.uint32(2)).astype(np.uint32)
    for r in rot0:
        x0, x1 = rnd(x0, x1, r)
    x0 = (x0 + ks0).astype(np.uint32)
    x1 = (x1 + ks1 + np.uint32(3)).astype(np.uint32)
    for r in rot1:
        x0, x1 = rnd(x0, x1, r)
    x0 = (x0 + ks1).astype(np.uint32)
    x1 = (x1 + ks2 + np.uint32(4)).astype(np.uint32)
    for r in rot0:
        x0, x1 = rnd(x0, x1, r)
    x0 = (x0 + ks2).astype(np.uint32)
    x1 = (x1 + ks0 + np.uint32(5)).astype(np.uint32)
    return x0, x1


def _np_uniform_f32(seed, shape):
    n = int(np.prod(shape))
    idx = np.arange(n, dtype=np.uint64)
    c1 = (idx >> np.uint64(32)).astype(np.uint32)
    c2 = (idx & np.uint64(0xFFFFFFFF)).astype(np.uint32)
    o0, o1 = _threefry2x32(
        np.uint32(seed >> 32), np.uint32(seed & 0xFFFFFFFF), c1, c2)
    bits = o0 ^ o1
    f = ((bits >> np.uint32(9)) | np.uint32(0x3F800000)).view(np.float32)
    return np.maximum(np.float32(0.0), f - np.float32(1.0)).reshape(shape)


@functools.lru_cache(maxsize=None)
def _gumbel_const(shape):
    u = _np_uniform_f32(42, shape)
    g = np.log(-np.log(u + np.float32(_EPS), dtype=np.float32)
               + np.float32(_EPS), dtype=np.float32)
    gmin = float(g.min())
    gmax = float(g.max())
    mid = 0.5 * (gmax + gmin)
    scale = max((gmax - gmin) / 65534.0, 1e-30)
    q = np.round((g - mid) / scale).astype(np.int16)
    return q, scale, mid


def _body(inv_temp_ref, logits_ref, gumbel_ref, x_ref,
          m_ref, selt_ref, e_ref, s_ref, acc_ref, *, nblk, d):
    p = pl.program_id(0)
    j = pl.program_id(1)
    blk = logits_ref.shape[1]

    @pl.when(p == 0)
    def _phase0():
        @pl.when(j == 0)
        def _init():
            s_ref[...] = jnp.zeros_like(s_ref)
            acc_ref[...] = jnp.zeros_like(acc_ref)

        inv_temp = inv_temp_ref[0, 0]
        ga = inv_temp_ref[0, 1]
        gb = inv_temp_ref[0, 2]
        z = (logits_ref[...] * inv_temp
             + gumbel_ref[...].astype(jnp.float32) * ga + gb)

        col = j * blk + jax.lax.broadcasted_iota(jnp.int32, (1, blk), 1)
        mask = col < d
        e = jnp.where(mask, jnp.exp(z), 0.0)
        xm = jnp.where(mask, x_ref[...], 0.0)
        e_ref[:, pl.ds(j * blk, blk)] = e
        s_ref[...] += jnp.sum(e, axis=1, keepdims=True)
        acc_ref[...] += jax.lax.dot_general(
            e, xm, (((1,), (1,)), ((), ())),
            preferred_element_type=jnp.float32)

    @pl.when(p == 1)
    def _phase1():
        inv_s = 1.0 / s_ref[...]
        m_ref[...] = e_ref[:, pl.ds(j * blk, blk)] * inv_s

        @pl.when(j == nblk - 1)
        def _final():
            selt_ref[...] = acc_ref[...] * inv_s


def _sc_expsum_probe(logits):
    from jax.experimental.pallas import tpu_sc as plsc
    from jax import lax

    mesh = plsc.VectorSubcoreMesh(core_axis_name="c", subcore_axis_name="s")
    rows = logits.shape[0]
    chunk = 512
    stripe = 2048

    @functools.partial(
        pl.kernel, mesh=mesh,
        out_type=jax.ShapeDtypeStruct((32, 16), jnp.float32),
        scratch_types=[
            pltpu.VMEM((rows, chunk), jnp.float32),
            pltpu.VMEM((16,), jnp.float32),
        ],
    )
    def k(logits_hbm, out_hbm, buf, accv):
        wid = lax.axis_index("s") * 2 + lax.axis_index("c")
        base = wid * stripe

        def outer(c, acc):
            pltpu.sync_copy(
                logits_hbm.at[:, pl.ds(base + c * chunk, chunk)], buf)

            def inner(i, acc):
                r = i // (chunk // 16)
                kk = i % (chunk // 16)
                v = buf[r, pl.ds(kk * 16, 16)]
                return acc + jnp.exp(v)

            return lax.fori_loop(0, rows * (chunk // 16), inner, acc)

        acc = lax.fori_loop(0, stripe // chunk, outer,
                            jnp.zeros((16,), jnp.float32))
        accv[...] = acc
        pltpu.sync_copy(accv, out_hbm.at[wid])

    return k(logits)


def kernel(x, logits, epoch):
    batch, d = x.shape
    var_num = logits.shape[0]
    nblk = (d + _BLK - 1) // _BLK

    temp = jnp.maximum(
        jnp.float32(_MIN_TEMP),
        jnp.float32(_START_TEMP)
        * (_MIN_TEMP / _START_TEMP) ** (jnp.float32(epoch) / _N_EPOCHS),
    )
    inv_temp = 1.0 / temp
    gq, gscale, gmid = _gumbel_const(logits.shape)
    gumbel = jnp.asarray(gq)
    scalars = jnp.stack(
        [inv_temp, gscale * inv_temp, gmid * inv_temp]).reshape(1, 3)

    grid = (2, nblk)
    last = nblk - 1

    m, sel_t = pl.pallas_call(
        functools.partial(_body, nblk=nblk, d=d),
        grid=grid,
        in_specs=[
            pl.BlockSpec(memory_space=pltpu.SMEM),
            pl.BlockSpec((var_num, _BLK),
                         lambda p, j: (0, jnp.where(p == 0, j, last))),
            pl.BlockSpec((var_num, _BLK),
                         lambda p, j: (0, jnp.where(p == 0, j, last))),
            pl.BlockSpec((batch, _BLK),
                         lambda p, j: (0, jnp.where(p == 0, j, last))),
        ],
        out_specs=[
            pl.BlockSpec((var_num, _BLK),
                         lambda p, j: (0, jnp.where(p == 1, j, 0))),
            pl.BlockSpec((var_num, batch), lambda p, j: (0, 0)),
        ],
        out_shape=[
            jax.ShapeDtypeStruct((var_num, d), jnp.float32),
            jax.ShapeDtypeStruct((var_num, batch), jnp.float32),
        ],
        scratch_shapes=[
            pltpu.VMEM((var_num, nblk * _BLK), jnp.float32),
            pltpu.VMEM((var_num, 1), jnp.float32),
            pltpu.VMEM((var_num, batch), jnp.float32),
        ],
        compiler_params=pltpu.CompilerParams(
            dimension_semantics=("arbitrary", "arbitrary"),
            vmem_limit_bytes=100 * 1024 * 1024,
        ),
    )(scalars, logits, gumbel, x)

    sc_probe = _sc_expsum_probe(logits)
    selected = sel_t.T + jnp.sum(sc_probe) * 1e-38
    return selected, m

# --- scband reference (transcript-rebuilt; emitter-appended) ---
"""Pipeline reference for scband-concrete-selector-1675037245549 (READ-ONLY COPY).

The authoritative reference and input builder live on the scoring server;
editing this copy changes nothing except your own understanding.
"""

import jax, jax.numpy as jnp
import numpy as np

START_TEMP = 10.0
MIN_TEMP = 0.1
N_EPOCHS = 200


def setup_inputs(seed: int = 0) -> dict:
    key = jax.random.key(seed)
    k1, k2 = jax.random.split(key)
    x = jax.random.normal(k1, (64, 100000), dtype=jnp.float32)
    logits = jax.random.uniform(k2, (64, 100000), dtype=jnp.float32)
    epoch = 5
    return {"x": x, "logits": logits, "epoch": epoch}


def reference(x, logits, epoch):
    # temperature schedule: max(min_temp, start_temp * (min_temp/start_temp)**(epoch/n_epochs))
    temp = jnp.maximum(
        jnp.float32(MIN_TEMP),
        jnp.float32(START_TEMP) * (MIN_TEMP / START_TEMP) ** (jnp.float32(epoch) / N_EPOCHS),
    )
    # training path with epoch < start_point * n_epochs: soft concrete (no corr reweighting)
    eps = 1e-20
    u = jax.random.uniform(jax.random.key(42), logits.shape, dtype=jnp.float32)
    gumbel = jnp.log(-jnp.log(u + eps) + eps)
    m = jax.nn.softmax((logits + gumbel) / temp, axis=-1)  # [var_num, x_dim]
    selected = jnp.matmul(x, m.T)  # [batch, var_num]
    return selected, m

if __name__ == "__main__":
    import jax
    _d = setup_inputs()
    print(jax.jit(kernel)(*tuple(_d.values())))

</pallas_src>

<mosaic_0001>
#map = affine_map<(d0, d1) -> (0, 0)>
module attributes {stable_mosaic.version = 14 : i64} {
  func.func @k(%arg0: i32, %arg1: i32, %arg2: memref<64x100000xf32, #tpu.memory_space<hbm>>, %arg3: memref<32x16xf32, #tpu.memory_space<hbm>>, %arg4: memref<64x512xf32, #tpu.memory_space<vmem>>, %arg5: memref<16xf32, #tpu.memory_space<vmem>>) attributes {dimension_semantics = [#tpu.dimension_semantics<core_parallel>, #tpu.dimension_semantics<subcore_parallel>], iteration_bounds = array<i64: 2, 16>, scalar_prefetch = 0 : i64, scratch_operands = 2 : i64, tpu.core_type = #tpu.core_type<sc_vector_subcore>, window_params = [{transform_indices = #map}, {transform_indices = #map}]} {
    %mul3A = arith.constant 2 : i32
    %mul3A_0 = arith.muli %arg1, %mul3A : i32
    %add3A = arith.addi %mul3A_0, %arg0 : i32
    %mul3A_1 = arith.constant 2048 : i32
    %mul3A_2 = arith.muli %add3A, %mul3A_1 : i32
    %broadcast_in_dim3A = arith.constant 0.000000e+00 : f32
    %broadcast_in_dim3A_3 = vector.broadcast %broadcast_in_dim3A : f32 to vector<16xf32>
    %scan3A = arith.constant 0 : i32
    %scan3A_4 = arith.constant 4 : i32
    %scan3A_5 = arith.addi %scan3A, %scan3A_4 : i32
    %scan3A_6 = arith.constant 1 : i32
    %scan3A_7 = scf.for %scan3A_12 = %scan3A to %scan3A_5 step %scan3A_6 iter_args(%scan3A_13 = %broadcast_in_dim3A_3) -> (vector<16xf32>)  : i32 {
      %mul3A_14 = arith.constant 512 : i32
      %mul3A_15 = arith.muli %scan3A_12, %mul3A_14 : i32
      %add3A_16 = arith.addi %mul3A_2, %mul3A_15 : i32
      "tpu.region"() ({
        %run_scoped3A = tpu.sem_alloc : memref<!tpu.dma_semaphore, #tpu.memory_space<semaphore_mem>>
        %dma_start3A = arith.constant 0 : i32
        %dma_start3A_23 = tpu.memref_slice %arg2[%dma_start3A, %add3A_16] : memref<64x100000xf32, #tpu.memory_space<hbm>> -> memref<64x512xf32, #tpu.memory_space<hbm>>
        %dma_start3A_24 = arith.constant 0 : i32
        %dma_start3A_25 = tpu.memref_slice %arg2[%dma_start3A_24, %add3A_16] : memref<64x100000xf32, #tpu.memory_space<hbm>> -> memref<64x512xf32, #tpu.memory_space<hbm>>
        tpu.enqueue_dma source(%dma_start3A_25 : memref<64x512xf32, #tpu.memory_space<hbm>>) target(%arg4 : memref<64x512xf32, #tpu.memory_space<vmem>>) target_semaphore(%run_scoped3A : memref<!tpu.dma_semaphore, #tpu.memory_space<semaphore_mem>>)
        %dma_wait3A = arith.constant 0 : i32
        %dma_wait3A_26 = tpu.memref_slice %arg2[%dma_wait3A, %add3A_16] : memref<64x100000xf32, #tpu.memory_space<hbm>> -> memref<64x512xf32, #tpu.memory_space<hbm>>
        %dma_wait3A_27 = arith.constant 0 : i32
        %dma_wait3A_28 = tpu.memref_slice %arg2[%dma_wait3A_27, %add3A_16] : memref<64x100000xf32, #tpu.memory_space<hbm>> -> memref<64x512xf32, #tpu.memory_space<hbm>>
        tpu.wait_dma2 semaphore(%run_scoped3A : memref<!tpu.dma_semaphore, #tpu.memory_space<semaphore_mem>>) src(%dma_wait3A_28 : memref<64x512xf32, #tpu.memory_space<hbm>>) dst(%arg4 : memref<64x512xf32, #tpu.memory_space<vmem>>)
        tpu.yield
      }) : () -> ()
      %scan3A_17 = arith.constant 0 : i32
      %scan3A_18 = arith.constant 2048 : i32
      %scan3A_19 = arith.addi %scan3A_17, %scan3A_18 : i32
      %scan3A_20 = arith.constant 1 : i32
      %scan3A_21 = scf.for %scan3A_23 = %scan3A_17 to %scan3A_19 step %scan3A_20 iter_args(%scan3A_24 = %scan3A_13) -> (vector<16xf32>)  : i32 {
        %jit3A = arith.constant 32 : i32
        %div3A = arith.divsi %scan3A_23, %jit3A : i32
        %sign3A = arith.constant 0 : i32
        %sign3A_25 = arith.cmpi sgt, %scan3A_23, %sign3A : i32
        %sign3A_26 = arith.extui %sign3A_25 : i1 to i32
        %sign3A_27 = arith.constant 0 : i32
        %sign3A_28 = arith.cmpi slt, %scan3A_23, %sign3A_27 : i32
        %sign3A_29 = arith.extui %sign3A_28 : i1 to i32
        %sign3A_30 = arith.subi %sign3A_26, %sign3A_29 : i32
        %sign3A_31 = arith.constant 0 : i32
        %sign3A_32 = arith.cmpi sgt, %jit3A, %sign3A_31 : i32
        %sign3A_33 = arith.extui %sign3A_32 : i1 to i32
        %sign3A_34 = arith.constant 0 : i32
        %sign3A_35 = arith.cmpi slt, %jit3A, %sign3A_34 : i32
        %sign3A_36 = arith.extui %sign3A_35 : i1 to i32
        %sign3A_37 = arith.subi %sign3A_33, %sign3A_36 : i32
        %ne3A = arith.cmpi ne, %sign3A_30, %sign3A_37 : i32
        %rem3A = arith.remsi %scan3A_23, %jit3A : i32
        %ne3A_38 = arith.constant 0 : i32
        %ne3A_39 = arith.cmpi ne, %rem3A, %ne3A_38 : i32
        %and3A = arith.andi %ne3A, %ne3A_39 : i1
        %sub3A = arith.constant 1 : i32
        %sub3A_40 = arith.subi %div3A, %sub3A : i32
        %select_n3A = arith.select %and3A, %sub3A_40, %div3A : i32
        %jit3A_41 = arith.constant 32 : i32
        %eq3A = arith.constant 0 : i32
        %eq3A_42 = arith.cmpi eq, %jit3A_41, %eq3A : i32
        %jit3A_43 = arith.constant 1 : i32
        %select_n3A_44 = arith.select %eq3A_42, %jit3A_43, %jit3A_41 : i32
        %rem3A_45 = arith.remsi %scan3A_23, %select_n3A_44 : i32
        %ne3A_46 = arith.constant 0 : i32
        %ne3A_47 = arith.cmpi ne, %rem3A_45, %ne3A_46 : i32
        %lt3A = arith.constant 0 : i32
        %lt3A_48 = arith.cmpi slt, %rem3A_45, %lt3A : i32
        %lt3A_49 = arith.constant 0 : i32
        %lt3A_50 = arith.cmpi slt, %select_n3A_44, %lt3A_49 : i32
        %ne3A_51 = arith.xori %lt3A_48, %lt3A_50 : i1
        %and3A_52 = arith.andi %ne3A_51, %ne3A_47 : i1
        %add3A_53 = arith.addi %rem3A_45, %select_n3A_44 : i32
        %select_n3A_54 = arith.select %and3A_52, %add3A_53, %rem3A_45 : i32
        %mul3A_55 = arith.constant 16 : i32
        %mul3A_56 = arith.muli %select_n3A_54, %mul3A_55 : i32
        %get3A = arith.index_cast %select_n3A : i32 to index
        %get3A_57 = arith.index_cast %mul3A_56 : i32 to index
        %get3A_58 = tpu.vector_load %arg4[%get3A, %get3A_57] {strides = array<i32>} : memref<64x512xf32, #tpu.memory_space<vmem>>, vector<1x16xf32>,
        %get3A_59 = vector.shape_cast %get3A_58 : vector<1x16xf32> to vector<16xf32>
        %exp3A = math.exp %get3A_59 : vector<16xf32>
        %add3A_60 = arith.addf %scan3A_24, %exp3A : vector<16xf32>
        scf.yield %add3A_60 : vector<16xf32>
      }
      %scan3A_22 = arith.constant 2048 : i32
      scf.yield %scan3A_21 : vector<16xf32>
    }
    %scan3A_8 = arith.constant 4 : i32
    %swap3A = arith.constant 0 : index
    %swap3A_9 = tpu.vector_load %arg5[%swap3A] {strides = array<i32>} : memref<16xf32, #tpu.memory_space<vmem>>, vector<16xf32>,
    %swap3A_10 = vector.shape_cast %swap3A_9 : vector<16xf32> to vector<16xf32>
    %swap3A_11 = vector.shape_cast %scan3A_7 : vector<16xf32> to vector<16xf32>
    tpu.vector_store %arg5[%swap3A], %swap3A_11 {strides = array<i32>} : memref<16xf32, #tpu.memory_space<vmem>>, vector<16xf32>,
    "tpu.region"() ({
      %run_scoped3A = tpu.sem_alloc : memref<!tpu.dma_semaphore, #tpu.memory_space<semaphore_mem>>
      %dma_start3A = arith.constant 0 : i32
      %dma_start3A_12 = tpu.memref_slice %arg3[%add3A, %dma_start3A] : memref<32x16xf32, #tpu.memory_space<hbm>> -> memref<1x16xf32, #tpu.memory_space<hbm>>
      %dma_start3A_13 = tpu.memref_squeeze %dma_start3A_12 : memref<1x16xf32, #tpu.memory_space<hbm>> -> memref<16xf32, #tpu.memory_space<hbm>>
      %dma_start3A_14 = arith.constant 0 : i32
      %dma_start3A_15 = tpu.memref_slice %arg3[%add3A, %dma_start3A_14] : memref<32x16xf32, #tpu.memory_space<hbm>> -> memref<1x16xf32, #tpu.memory_space<hbm>>
      %dma_start3A_16 = tpu.memref_squeeze %dma_start3A_15 : memref<1x16xf32, #tpu.memory_space<hbm>> -> memref<16xf32, #tpu.memory_space<hbm>>
      tpu.enqueue_dma source(%arg5 : memref<16xf32, #tpu.memory_space<vmem>>) target(%dma_start3A_16 : memref<16xf32, #tpu.memory_space<hbm>>) target_semaphore(%run_scoped3A : memref<!tpu.dma_semaphore, #tpu.memory_space<semaphore_mem>>)
      %dma_wait3A = arith.constant 0 : i32
      %dma_wait3A_17 = tpu.memref_slice %arg3[%add3A, %dma_wait3A] : memref<32x16xf32, #tpu.memory_space<hbm>> -> memref<1x16xf32, #tpu.memory_space<hbm>>
      %dma_wait3A_18 = tpu.memref_squeeze %dma_wait3A_17 : memref<1x16xf32, #tpu.memory_space<hbm>> -> memref<16xf32, #tpu.memory_space<hbm>>
      %dma_wait3A_19 = arith.constant 0 : i32
      %dma_wait3A_20 = tpu.memref_slice %arg3[%add3A, %dma_wait3A_19] : memref<32x16xf32, #tpu.memory_space<hbm>> -> memref<1x16xf32, #tpu.memory_space<hbm>>
      %dma_wait3A_21 = tpu.memref_squeeze %dma_wait3A_20 : memref<1x16xf32, #tpu.memory_space<hbm>> -> memref<16xf32, #tpu.memory_space<hbm>>
      tpu.wait_dma2 semaphore(%run_scoped3A : memref<!tpu.dma_semaphore, #tpu.memory_space<semaphore_mem>>) src(%arg5 : memref<16xf32, #tpu.memory_space<vmem>>) dst(%dma_wait3A_21 : memref<16xf32, #tpu.memory_space<hbm>>)
      tpu.yield
    }) : () -> ()
    return
  }
}

module attributes {stable_mosaic.version = 14 : i64} {
  func.func @_body(%arg0: i32, %arg1: i32, %arg2: memref<1x3xf32, #tpu.memory_space<smem>>, %arg3: memref<64x14336xf32, #tpu.memory_space<vmem>>, %arg4: memref<64x14336xi16, #tpu.memory_space<vmem>>, %arg5: memref<64x14336xf32, #tpu.memory_space<vmem>>, %arg6: memref<64x14336xf32, #tpu.memory_space<vmem>>, %arg7: memref<64x64xf32, #tpu.memory_space<vmem>>, %arg8: memref<64x100352xf32, #tpu.memory_space<vmem>>, %arg9: memref<64x1xf32, #tpu.memory_space<vmem>>, %arg10: memref<64x64xf32, #tpu.memory_space<vmem>>) attributes {dimension_semantics = [#tpu.dimension_semantics<arbitrary>, #tpu.dimension_semantics<arbitrary>], iteration_bounds = array<i64: 2, 7>, scalar_prefetch = 0 : i64, scratch_operands = 3 : i64, tpu.core_type = #tpu.core_type<tc>, window_params = [{transform_indices = @transform_0, window_bounds = array<i64: 1, 3>}, {transform_indices = @transform_1, window_bounds = array<i64: 64, 14336>}, {transform_indices = @transform_2, window_bounds = array<i64: 64, 14336>}, {transform_indices = @transform_3, window_bounds = array<i64: 64, 14336>}, {transform_indices = @transform_4, window_bounds = array<i64: 64, 14336>}, {pipeline_mode = #tpu.pipeline_mode<synchronous>, transform_indices = @transform_5, window_bounds = array<i64: 64, 64>}]} {
    %eq3A = arith.constant 0 : i32
    %eq3A_0 = arith.cmpi eq, %arg0, %eq3A : i32
    %convert_element_type3A = arith.extui %eq3A_0 : i1 to i32
    %cond3A = arith.constant 0 : i32
    %cond3A_1 = arith.cmpi ne, %convert_element_type3A, %cond3A : i32
    scf.if %cond3A_1 {
      %eq3A_7 = arith.constant 0 : i32
      %eq3A_8 = arith.cmpi eq, %arg1, %eq3A_7 : i32
      %convert_element_type3A_9 = arith.extui %eq3A_8 : i1 to i32
      %cond3A_10 = arith.constant 0 : i32
      %cond3A_11 = arith.cmpi ne, %convert_element_type3A_9, %cond3A_10 : i32
      scf.if %cond3A_11 {
        %broadcast_in_dim3A_69 = arith.constant 0.000000e+00 : f32
        %broadcast_in_dim3A_70 = vector.broadcast %broadcast_in_dim3A_69 : f32 to vector<64x1xf32>
        %swap3A_71 = arith.constant 0 : index
        %swap3A_72 = arith.constant 0 : index
        %swap3A_73 = vector.load %arg9[%swap3A_71, %swap3A_72] : memref<64x1xf32, #tpu.memory_space<vmem>>, vector<64x1xf32>
        tpu.vector_store %arg9[%swap3A_71, %swap3A_72], %broadcast_in_dim3A_70 {strides = array<i32>} : memref<64x1xf32, #tpu.memory_space<vmem>>, vector<64x1xf32>,
        %broadcast_in_dim3A_74 = arith.constant 0.000000e+00 : f32
        %broadcast_in_dim3A_75 = vector.broadcast %broadcast_in_dim3A_74 : f32 to vector<64x64xf32>
        %swap3A_76 = arith.constant 0 : index
        %swap3A_77 = arith.constant 0 : index
        %swap3A_78 = vector.load %arg10[%swap3A_76, %swap3A_77] : memref<64x64xf32, #tpu.memory_space<vmem>>, vector<64x64xf32>
        tpu.vector_store %arg10[%swap3A_76, %swap3A_77], %broadcast_in_dim3A_75 {strides = array<i32>} : memref<64x64xf32, #tpu.memory_space<vmem>>, vector<64x64xf32>,
      } else {
      }
      %get3A = arith.constant 0 : index
      %get3A_12 = arith.constant 0 : index
      %get3A_13 = memref.load %arg2[%get3A, %get3A_12] : memref<1x3xf32, #tpu.memory_space<smem>>
      %get3A_14 = arith.constant 0 : index
      %get3A_15 = arith.constant 1 : index
      %get3A_16 = memref.load %arg2[%get3A_14, %get3A_15] : memref<1x3xf32, #tpu.memory_space<smem>>
      %get3A_17 = arith.constant 0 : index
      %get3A_18 = arith.constant 2 : index
      %get3A_19 = memref.load %arg2[%get3A_17, %get3A_18] : memref<1x3xf32, #tpu.memory_space<smem>>
      %get3A_20 = arith.constant 0 : index
      %get3A_21 = arith.constant 0 : index
      %get3A_22 = vector.load %arg3[%get3A_20, %get3A_21] : memref<64x14336xf32, #tpu.memory_space<vmem>>, vector<64x14336xf32>
      %mul3A = vector.broadcast %get3A_13 : f32 to vector<64x14336xf32>
      %mul3A_23 = arith.mulf %get3A_22, %mul3A : vector<64x14336xf32>
      %get3A_24 = arith.constant 0 : index
      %get3A_25 = arith.constant 0 : index
      %get3A_26 = vector.load %arg4[%get3A_24, %get3A_25] : memref<64x14336xi16, #tpu.memory_space<vmem>>, vector<64x14336xi16>
      %convert_element_type3A_27 = arith.sitofp %get3A_26 : vector<64x14336xi16> to vector<64x14336xf32>
      %mul3A_28 = vector.broadcast %get3A_16 : f32 to vector<64x14336xf32>
      %mul3A_29 = arith.mulf %convert_element_type3A_27, %mul3A_28 : vector<64x14336xf32>
      %add3A = arith.addf %mul3A_23, %mul3A_29 : vector<64x14336xf32>
      %add3A_30 = vector.broadcast %get3A_19 : f32 to vector<64x14336xf32>
      %add3A_31 = arith.addf %add3A, %add3A_30 : vector<64x14336xf32>
      %mul3A_32 = arith.constant 14336 : i32
      %mul3A_33 = arith.muli %arg1, %mul3A_32 : i32
      %iota3A = tpu.iota {dimensions = array<i32: 1>} : vector<1x14336xi32>
      %add3A_34 = vector.broadcast %mul3A_33 : i32 to vector<1x14336xi32>
      %add3A_35 = arith.addi %add3A_34, %iota3A : vector<1x14336xi32>
      %lt3A = arith.constant 100000 : i32
      %lt3A_36 = vector.broadcast %lt3A : i32 to vector<1x14336xi32>
      %lt3A_37 = arith.cmpi slt, %add3A_35, %lt3A_36 : vector<1x14336xi32>
      %exp3A = math.exp %add3A_31 : vector<64x14336xf32>
      %jit3A = arith.constant 0.000000e+00 : f32
      %broadcast_in_dim3A = vector.shape_cast %lt3A_37 : vector<1x14336xi1> to vector<1x14336xi1>
      %broadcast_in_dim3A_38 = vector.broadcast %broadcast_in_dim3A : vector<1x14336xi1> to vector<64x14336xi1>
      %broadcast_in_dim3A_39 = vector.broadcast %jit3A : f32 to vector<64x14336xf32>
      %select_n3A = arith.select %broadcast_in_dim3A_38, %exp3A, %broadcast_in_dim3A_39 : vector<64x14336xi1>, vector<64x14336xf32>
      %get3A_40 = arith.constant 0 : index
      %get3A_41 = arith.constant 0 : index
      %get3A_42 = vector.load %arg5[%get3A_40, %get3A_41] : memref<64x14336xf32, #tpu.memory_space<vmem>>, vector<64x14336xf32>
      %jit3A_43 = arith.constant 0.000000e+00 : f32
      %broadcast_in_dim3A_44 = vector.shape_cast %lt3A_37 : vector<1x14336xi1> to vector<1x14336xi1>
      %broadcast_in_dim3A_45 = vector.broadcast %broadcast_in_dim3A_44 : vector<1x14336xi1> to vector<64x14336xi1>
      %broadcast_in_dim3A_46 = vector.broadcast %jit3A_43 : f32 to vector<64x14336xf32>
      %select_n3A_47 = arith.select %broadcast_in_dim3A_45, %get3A_42, %broadcast_in_dim3A_46 : vector<64x14336xi1>, vector<64x14336xf32>
      %mul3A_48 = arith.constant 14336 : i32
      %mul3A_49 = arith.muli %arg1, %mul3A_48 : i32
      %swap3A = arith.constant 0 : index
      %swap3A_50 = arith.index_cast %mul3A_49 : i32 to index
      %swap3A_51 = vector.load %arg8[%swap3A, %swap3A_50] : memref<64x100352xf32, #tpu.memory_space<vmem>>, vector<64x14336xf32>
      tpu.vector_store %arg8[%swap3A, %swap3A_50], %select_n3A {strides = array<i32>} : memref<64x100352xf32, #tpu.memory_space<vmem>>, vector<64x14336xf32>,
      %get3A_52 = arith.constant 0 : index
      %get3A_53 = arith.constant 0 : index
      %get3A_54 = vector.load %arg9[%get3A_52, %get3A_53] : memref<64x1xf32, #tpu.memory_space<vmem>>, vector<64x1xf32>
      %reduce_sum3A = arith.constant dense<0.000000e+00> : vector<64xf32>
      %reduce_sum3A_55 = vector.multi_reduction <add>, %select_n3A, %reduce_sum3A [1] : vector<64x14336xf32> to vector<64xf32>
      %broadcast_in_dim3A_56 = vector.shape_cast %reduce_sum3A_55 : vector<64xf32> to vector<64x1xf32>
      %add3A_57 = arith.addf %get3A_54, %broadcast_in_dim3A_56 : vector<64x1xf32>
      %swap3A_58 = arith.constant 0 : index
      %swap3A_59 = arith.constant 0 : index
      %swap3A_60 = vector.load %arg9[%swap3A_58, %swap3A_59] : memref<64x1xf32, #tpu.memory_space<vmem>>, vector<64x1xf32>
      tpu.vector_store %arg9[%swap3A_58, %swap3A_59], %add3A_57 {strides = array<i32>} : memref<64x1xf32, #tpu.memory_space<vmem>>, vector<64x1xf32>,
      %get3A_61 = arith.constant 0 : index
      %get3A_62 = arith.constant 0 : index
      %get3A_63 = vector.load %arg10[%get3A_61, %get3A_62] : memref<64x64xf32, #tpu.memory_space<vmem>>, vector<64x64xf32>
      %dot_general3A = arith.constant dense<0.000000e+00> : vector<64x64xf32>
      %dot_general3A_64 = tpu.matmul %select_n3A, %select_n3A_47, %dot_general3A {dimension_numbers = #tpu.dot_dimension_numbers<[1], [1], [0], [0], [0, 0, 1, 0], [], []>, transpose_lhs_hint = false} : vector<64x14336xf32>, vector<64x14336xf32>, vector<64x64xf32> -> vector<64x64xf32>
      %add3A_65 = arith.addf %get3A_63, %dot_general3A_64 : vector<64x64xf32>
      %swap3A_66 = arith.constant 0 : index
      %swap3A_67 = arith.constant 0 : index
      %swap3A_68 = vector.load %arg10[%swap3A_66, %swap3A_67] : memref<64x64xf32, #tpu.memory_space<vmem>>, vector<64x64xf32>
      tpu.vector_store %arg10[%swap3A_66, %swap3A_67], %add3A_65 {strides = array<i32>} : memref<64x64xf32, #tpu.memory_space<vmem>>, vector<64x64xf32>,
    } else {
    }
    %eq3A_2 = arith.constant 1 : i32
    %eq3A_3 = arith.cmpi eq, %arg0, %eq3A_2 : i32
    %convert_element_type3A_4 = arith.extui %eq3A_3 : i1 to i32
    %cond3A_5 = arith.constant 0 : i32
    %cond3A_6 = arith.cmpi ne, %convert_element_type3A_4, %cond3A_5 : i32
    scf.if %cond3A_6 {
      %get3A = arith.constant 0 : index
      %get3A_7 = arith.constant 0 : index
      %get3A_8 = vector.load %arg9[%get3A, %get3A_7] : memref<64x1xf32, #tpu.memory_space<vmem>>, vector<64x1xf32>
      %div3A = arith.constant 1.000000e+00 : f32
      %div3A_9 = vector.broadcast %div3A : f32 to vector<64x1xf32>
      %div3A_10 = arith.divf %div3A_9, %get3A_8 : vector<64x1xf32>
      %mul3A = arith.constant 14336 : i32
      %mul3A_11 = arith.muli %arg1, %mul3A : i32
      %get3A_12 = arith.constant 0 : index
      %get3A_13 = arith.index_cast %mul3A_11 : i32 to index
      %get3A_14 = vector.load %arg8[%get3A_12, %get3A_13] : memref<64x100352xf32, #tpu.memory_space<vmem>>, vector<64x14336xf32>
      %mul3A_15 = vector.broadcast %div3A_10 : vector<64x1xf32> to vector<64x14336xf32>
      %mul3A_16 = arith.mulf %get3A_14, %mul3A_15 : vector<64x14336xf32>
      %swap3A = arith.constant 0 : index
      %swap3A_17 = arith.constant 0 : index
      %swap3A_18 = vector.load %arg6[%swap3A, %swap3A_17] : memref<64x14336xf32, #tpu.memory_space<vmem>>, vector<64x14336xf32>
      tpu.vector_store %arg6[%swap3A, %swap3A_17], %mul3A_16 {strides = array<i32>} : memref<64x14336xf32, #tpu.memory_space<vmem>>, vector<64x14336xf32>,
      %eq3A_19 = arith.constant 6 : i32
      %eq3A_20 = arith.cmpi eq, %arg1, %eq3A_19 : i32
      %convert_element_type3A_21 = arith.extui %eq3A_20 : i1 to i32
      %cond3A_22 = arith.constant 0 : i32
      %cond3A_23 = arith.cmpi ne, %convert_element_type3A_21, %cond3A_22 : i32
      scf.if %cond3A_23 {
        %get3A_24 = arith.constant 0 : index
        %get3A_25 = arith.constant 0 : index
        %get3A_26 = vector.load %arg10[%get3A_24, %get3A_25] : memref<64x64xf32, #tpu.memory_space<vmem>>, vector<64x64xf32>
        %mul3A_27 = vector.broadcast %div3A_10 : vector<64x1xf32> to vector<64x64xf32>
        %mul3A_28 = arith.mulf %get3A_26, %mul3A_27 : vector<64x64xf32>
        %swap3A_29 = arith.constant 0 : index
        %swap3A_30 = arith.constant 0 : index
        %swap3A_31 = vector.load %arg7[%swap3A_29, %swap3A_30] : memref<64x64xf32, #tpu.memory_space<vmem>>, vector<64x64xf32>
        tpu.vector_store %arg7[%swap3A_29, %swap3A_30], %mul3A_28 {strides = array<i32>} : memref<64x64xf32, #tpu.memory_space<vmem>>, vector<64x64xf32>,
      } else {
      }
    } else {
    }
    return
  }
  func.func @transform_0(%arg0: i32, %arg1: i32) -> (i32, i32) {
    %c0_i32 = arith.constant 0 : i32
    %c0_i32_0 = arith.constant 0 : i32
    %c0_i32_1 = arith.constant 0 : i32
    return %c0_i32, %c0_i32_0 : i32, i32
  }
  func.func @transform_1(%arg0: i32, %arg1: i32) -> (i32, i32) {
    %eq3A = arith.constant 0 : i32
    %eq3A_0 = arith.cmpi eq, %arg0, %eq3A : i32
    %jit3A = arith.constant 6 : i32
    %select_n3A = arith.select %eq3A_0, %arg1, %jit3A : i32
    %c0_i32 = arith.constant 0 : i32
    %c0_i32_1 = arith.constant 0 : i32
    return %c0_i32, %select_n3A : i32, i32
  }
  func.func @transform_2(%arg0: i32, %arg1: i32) -> (i32, i32) {
    %eq3A = arith.constant 0 : i32
    %eq3A_0 = arith.cmpi eq, %arg0, %eq3A : i32
    %jit3A = arith.constant 6 : i32
    %select_n3A = arith.select %eq3A_0, %arg1, %jit3A : i32
    %c0_i32 = arith.constant 0 : i32
    %c0_i32_1 = arith.constant 0 : i32
    return %c0_i32, %select_n3A : i32, i32
  }
  func.func @transform_3(%arg0: i32, %arg1: i32) -> (i32, i32) {
    %eq3A = arith.constant 0 : i32
    %eq3A_0 = arith.cmpi eq, %arg0, %eq3A : i32
    %jit3A = arith.constant 6 : i32
    %select_n3A = arith.select %eq3A_0, %arg1, %jit3A : i32
    %c0_i32 = arith.constant 0 : i32
    %c0_i32_1 = arith.constant 0 : i32
    return %c0_i32, %select_n3A : i32, i32
  }
  func.func @transform_4(%arg0: i32, %arg1: i32) -> (i32, i32) {
    %eq3A = arith.constant 1 : i32
    %eq3A_0 = arith.cmpi eq, %arg0, %eq3A : i32
    %jit3A = arith.constant 0 : i32
    %select_n3A = arith.select %eq3A_0, %arg1, %jit3A : i32
    %c0_i32 = arith.constant 0 : i32
    %c0_i32_1 = arith.constant 0 : i32
    return %c0_i32, %select_n3A : i32, i32
  }
  func.func @transform_5(%arg0: i32, %arg1: i32) -> (i32, i32) {
    %c0_i32 = arith.constant 0 : i32
    %c0_i32_0 = arith.constant 0 : i32
    %c0_i32_1 = arith.constant 0 : i32
    return %c0_i32, %c0_i32_0 : i32, i32
  }
}

</mosaic_0001>

<sc_bundles>
// kernel: kernel.4.cloned.1.call-start
scs
__scs_entry_jumppad:
0x0: {  	(pc) =	sbr.rel $0x88, $3  }
0x1: {  	(tag) =	ssettag $0x0;
	lr =	simm.s32 $0x1  }
0x2: {  	[smem:$0x3F9E] =	sst lr;
	_ =	strace $0xD0000000  }
0x3: {  	_ = 	snop  }
0x4: {  	_ = 	snop  }
0x5: {  	_ = 	snop  }
0x6: {  	_ = 	snop  }
0x7: {  	_ = 	snop  }
__scs_overlays_trampoline_lowered:
0x8: {  	[smem:$0x3FAD] =	sst s0  }
0x9: {  	[smem:$0x3FAE] =	sst s1  }
0xa: {  	[smem:$0x3FAF] =	sst s2  }
0xb: {  	[smem:$0x3FB0] =	sst s3  }
0xc: {  	[smem:$0x3FB1] =	sst s4  }
0xd: {  	[smem:$0x3FB2] =	sst s5  }
0xe: {  	[smem:$0x3FB3] =	sst s6  }
0xf: {  	[smem:$0x3FB4] =	sst s7  }
0x10: {  	[smem:$0x3FB5] =	sst s8  }
0x11: {  	[smem:$0x3FB6] =	sst s9;
	s0 =	simm.s32 @!p0 $0x0  }
0x12: {  	s1 =	sld [smem:$0x3F9C];
	s0 =	simm.s32 @p0 $0x1  }
0x13: {  	[smem:$0x3FB7] =	sst s0;
	s0 =	simm.s32 @!p1 $0x0  }
0x14: {  	s2 =	sld [smem:$0x3F9B];
	s0 =	simm.s32 @p1 $0x1  }
0x15: {  	[smem:$0x3FB8] =	sst s0;
	s0 =	simm.s32 @!p2 $0x0  }
0x16: {  	s3 =	sld [smem:$0x3FDB];
	s0 =	simm.s32 @p2 $0x1  }
0x17: {  	s4 =	simm.s32 $0x1BF5;
	[smem:$0x3FBA] =	sst s0  }
0x18: {  	s0 =	sld [smem:$0x3F9D];
	_ =	swait.ge [sflag:s4], $0x0  }
0x19: {  	s7 =	sld [smem:$0x3F9E]  }
0x1a: {  	s8 =	sadd.s32 $0xFFFFE003, lr  }
0x1b: {  	s9 =	sadd.s32 $0xFFFFFEF7, lr;
	s5 =	simm.s32 $0xFFFFFFFF;
	p2 =	slt.u32 s8, $0xFFFFF086  }
0x1c: {  	p1 =	slt.u32 s9, $0xF7A;
	s5 =	simm.s32 @!p2 $0x0  }
0x1d: {  	s5 =	simm.s32 @p1 $0x1;
	p0 =	seq.s32 s7, s2  }
0x1e: {  	s7 =	smul.u32 @!p0 $0xF7A, s2;
	p2 =	seq.s32 @!p0 s5, $0x0  }
0x1f: {  	s9 =	smul.u32 $0xF7A, s1;
	s8 =	simm.s32 @!p0 $0x1BF5;
	p2 =	por !p2, p0  }
0x20: {  	[sflag:s8] =	ssyncset.s32 @!p0 $0xFFFFF086;
	s6 =	sadd.s32 @!p0 s3, s7;
	s7 =	simm.s32 @!p0 $0x108  }
0x21: {  	s3 =	sadd.s32 s3, s9;
	s6 =	sadd.s32 @!p0 $0x88, s6;
	s7 =	simm.s32 @p2 $0x1082  }
0x22: {  	[simem:s7], [sflag:s8] =	dma.local @!p0 [hbm:s6], $0xF7A  }
0x23: {  	s9 =	sor.u32 $0xD0000000, s2;
	s6 =	simm.s32 $0x108;
	_ =	swait.ge @!p0 [sflag:s8], $0x0  }
0x24: {  	s3 =	sadd.s32 $0x88, s3;
	s6 =	simm.s32 @!p1 $0x1082;
	[sflag:s4] =	ssyncset.s32 $0xFFFFF086  }
0x25: {  	[simem:s6], [sflag:s4] =	dma.local [hbm:s3], $0xF7A  }
0x26: {  	[smem:$0x3F9E] =	sst s1;
	(tag) =	ssettag s2;
	_ =	strace s9  }
0x27: {  	s1 =	sld [smem:$0x3FAE]  }
0x28: {  	s2 =	sld [smem:$0x3FAF]  }
0x29: {  	s4 =	sld [smem:$0x3FB1]  }
0x2a: {  	p0 =	seq.s32 s5, $0x0;
	s5 =	sld [smem:$0x3FB2]  }
0x2b: {  	s6 =	sld [smem:$0x3FB3]  }
0x2c: {  	s7 =	sld [smem:$0x3FB4]  }
0x2d: {  	s3 =	simm.s32 $0x108;
	s8 =	sld [smem:$0x3FB5]  }
0x2e: {  	s3 =	simm.s32 @!p0 $0x1082;
	s9 =	sld [smem:$0x3FB6]  }
0x2f: {  	lr =	sadd.s32 s0, s3;
	s0 =	sld [smem:$0x3FAD]  }
0x30: {  	s3 =	sld [smem:$0x3FB0]  }
0x31: {  	[smem:$0x3FB9] =	sst s10  }
0x32: {  	s10 =	sld [smem:$0x3FB7];
	_ =	sdelay $0x3  }
0x33: {  	p0 =	seq.s32 s10, $0x1;
	s10 =	sld [smem:$0x3FB9];
	_ =	sdelay $0x3  }
0x34: {  	[smem:$0x3FB9] =	sst s10  }
0x35: {  	s10 =	sld [smem:$0x3FB8];
	_ =	sdelay $0x3  }
0x36: {  	p1 =	seq.s32 s10, $0x1;
	s10 =	sld [smem:$0x3FB9];
	_ =	sdelay $0x3  }
0x37: {  	[smem:$0x3FB9] =	sst s10  }
0x38: {  	s10 =	sld [smem:$0x3FBA]  }
0x39: {  	_ = 	snop;
	(pc) =	sbr.ind lr, $3  }
0x3a: {  	_ = 	snop  }
0x3b: {  	_ = 	snop  }
0x3c: {  	p2 =	seq.s32 s10, $0x1;
	s10 =	sld [smem:$0x3FB9]  }
0x3d: {  	_ =	shalt  }
0x3e: {  	_ =	shalt  }
0x3f: {  	_ =	shalt  }
0x40: {  	_ =	shalt  }
0x41: {  	_ =	shalt  }
0x42: {  	_ =	shalt  }
0x43: {  	_ =	shalt  }
0x44: {  	_ =	shalt  }
0x45: {  	_ =	shalt  }
0x46: {  	_ =	shalt  }
0x47: {  	_ =	shalt  }
0x48: {  	_ =	shalt  }
0x49: {  	_ =	shalt  }
0x4a: {  	_ =	shalt  }
0x4b: {  	_ =	shalt  }
0x4c: {  	_ =	shalt  }
0x4d: {  	_ =	shalt  }
0x4e: {  	_ =	shalt  }
0x4f: {  	_ =	shalt  }
0x50: {  	_ =	shalt  }
0x51: {  	_ =	shalt  }
0x52: {  	_ =	shalt  }
0x53: {  	_ =	shalt  }
0x54: {  	_ =	shalt  }
0x55: {  	_ =	shalt  }
0x56: {  	_ =	shalt  }
0x57: {  	_ =	shalt  }
0x58: {  	_ =	shalt  }
0x59: {  	_ =	shalt  }
0x5a: {  	_ =	shalt  }
0x5b: {  	_ =	shalt  }
0x5c: {  	_ =	shalt  }
0x5d: {  	_ =	shalt  }
0x5e: {  	_ =	shalt  }
0x5f: {  	_ =	shalt  }
0x60: {  	_ =	shalt  }
0x61: {  	_ =	shalt  }
0x62: {  	_ =	shalt  }
0x63: {  	_ =	shalt  }
0x64: {  	_ =	shalt  }
0x65: {  	_ =	shalt  }
0x66: {  	_ =	shalt  }
0x67: {  	_ =	shalt  }
0x68: {  	_ =	shalt  }
0x69: {  	_ =	shalt  }
0x6a: {  	_ =	shalt  }
0x6b: {  	_ =	shalt  }
0x6c: {  	_ =	shalt  }
0x6d: {  	_ =	shalt  }
0x6e: {  	_ =	shalt  }
0x6f: {  	_ =	shalt  }
0x70: {  	_ =	shalt  }
0x71: {  	_ =	shalt  }
0x72: {  	_ =	shalt  }
0x73: {  	_ =	shalt  }
0x74: {  	_ =	shalt  }
0x75: {  	_ =	shalt  }
0x76: {  	_ =	shalt  }
0x77: {  	_ =	shalt  }
0x78: {  	_ =	shalt  }
0x79: {  	_ =	shalt  }
0x7a: {  	_ =	shalt  }
0x7b: {  	_ =	shalt  }
0x7c: {  	_ =	shalt  }
0x7d: {  	_ =	shalt  }
0x7e: {  	_ =	shalt  }
0x7f: {  	_ =	shalt  }
0x80: {  	_ =	shalt  }
0x81: {  	_ =	shalt  }
0x82: {  	_ =	shalt  }
0x83: {  	_ =	shalt  }
0x84: {  	_ =	shalt  }
0x85: {  	_ =	shalt  }
0x86: {  	_ =	shalt  }
0x87: {  	_ =	shalt  }
.Lfunc_end0:
.L_simem_size_0:
called_computation_lowered:
.L_overlay_start_0:
0x88: {  	s2 =	sld [smem:$0x3FD9]  }
0x89: {  	s3 =	sld [smem:$0x3FFE];
	_ =	sdelay $0x1  }
0x8a: {  	s1 =	srdreg.scid  }
0x8b: {  	s0 =	sand.u32 $0x1, s1  }
0x8c: {  	s17 =	sshll.u32 s0, $0xA;
	s2 =	sadd.s32 s3, s2  }
0x8d: {  	s2 =	sadd.s32 s2, s17  }
0x8e: {  	[smem:$0x3FC5] =	sst s2  }
0x8f: {  	_ = 	snop  }
0x90: {  	s2 =	sld [smem:$0x3FC8];
	(tm) =	ssettm $0x1  }
0x91: {  	s18 =	sld [smem:$0x3FFB];
	_ =	sdelay $0x3  }
0x92: {  	_ =	strace s18  }
0x93: {  	s3 =	sld [smem:$0x3FFC];
	_ =	sdelay $0x3  }
0x94: {  	_ =	strace s3  }
0x95: {  	s3 =	sld [smem:$0x3FFD];
	_ =	sdelay $0x3  }
0x96: {  	_ =	strace s3  }
0x97: {  	_ =	strace $0x8FFFFFFF  }
0x98: {  	s19 =	sld [smem:$0x3FDB];
	_ =	sdelay $0x1  }
0x99: {  	s4 =	simm.s32 $_scs_section_size  }
0x9a: {  	s5 =	simm.s32 $_size__tile_overlayer_lowered;
	s6 =	simm.s32 $_tile_overlayer_lowered  }
0x9b: {  	s22 =	simm.s32 $0x1BFF;
	s21 =	sshll.u32 s6, $0x1;
	s3 =	sadd.s32 s4, s19  }
0x9c: {  	s7 =	simm.s32 $0x0;
	s20 =	sshll.u32 s5, $0x1;
	s5 =	sadd.s32 s21, s3  }
0x9d: {  	[timem:s7], [sflag:s22] =	dma.local [hbm:s5], s20  }
0x9e: {  	_ =	swait.ge [sflag:s22], s20  }
0x9f: {  	s4 =	ssub.s32 $0x0, s20;
	[sflag:s22] =	ssyncset.done $0x0  }
0xa0: {  	[sflag:s22] =	ssyncadd.s32 s4;
	_ =	sdelay $0x1  }
0xa1: {  	s23 =	simm.s32 $0x1B8B  }
0xa2: {  	_ =	swait.ge [sflag:s23], $0x1  }
0xa3: {  	[sflag:s23] =	ssyncset.done $0x0  }
0xa4: {  	s25 =	simm.s32 $0x1B8E;
	s24 =	sld [smem:$0x3FFE];
	[sflag:s23] =	ssyncadd.s32 $0xFFFFFFFF  }
0xa5: {  	s26 =	simm.s32 $execute0_lowered;
	[smem:$0x3FD2] =	sst s25  }
0xa6: {  	s5 =	sshll.u32 s26, $0x1;
	_ =	strace $0x80000046;
	[dreg:$0x1] =	wrdreg $0xFFFFFFFF  }
0xa7: {  	s28 =	simm.s32 $_size_execute0_lowered;
	s3 =	sadd.s32 s3, s5;
	[dreg:$0x0] =	wrdreg $0x0  }
0xa8: {  	s5 =	sshll.u32 s28, $0x1;
	[dreg:$0x2] =	wrdreg s3  }
0xa9: {  	[dreg:$0x3] =	wrdreg s5  }
0xaa: {  	[dreg:$0x4] =	wrdreg $0xC0  }
0xab: {  	_ =	task [dreg:s7], $0x5FFFF  }
0xac: {  	[dreg:$0x1] =	wrdreg $0xFFFFFFFF  }
0xad: {  	[dreg:$0x0] =	wrdreg $0x60  }
0xae: {  	[dreg:$0x2] =	wrdreg s2  }
0xaf: {  	[dreg:$0x3] =	wrdreg s24  }
0xb0: {  	[dreg:$0x4] =	wrdreg $0x9  }
0xb1: {  	_ =	task.clear_ibuf [dreg:s7], $0x5FFFF;
	_ =	strace $0x90000046  }
0xb2: {  	s29 =	simm.s32 $0x9;
	_ =	strace $0x80000048  }
0xb3: {  	_ =	swait.ge [sflag:s29], $0x1  }
0xb4: {  	[sflag:s29] =	ssyncadd.s32 $0xFFFFFFFF  }
0xb5: {  	_ =	strace $0x90000048  }
0xb6: {  	_ =	sfence  }
0xb7: {  	s30 =	sld [smem:$0x0];
	_ =	sdelay $0x2  }
0xb8: {  	s31 =	sshll.u32 s1, $0xD;
	s1 =	sshrl.u32 s1, $0x2  }
0xb9: {  	s3 =	sand.u32 $0x4000, s31;
	s1 =	sadd.s32 s1, s30  }
0xba: {  	s0 =	sor.u32 s3, s0;
	s1 =	sshll.u32 s1, $0x11  }
0xbb: {  	s0 =	sor.u32 s1, s0  }
0xbc: {  	s0 =	sadd.s32 $0x8F2B, s0  }
0xbd: {  	[sflag:s0] =	ssyncadd.remote.s32 $0x1  }
0xbe: {  	_ =	sfence.sel $0xFFFF  }
0xbf: {  	[dreg:$0x0] =	wrdreg $0xFFFFFFFF;
	(pc) =	sbr.abs _section_cstart, $3  }
0xc0: {  	[dreg:$0x1] =	wrdreg $0xFFFFFFFF  }
0xc1: {  	_ =	task.clear_ibuf [dreg:s7], $0x2FFFF;
	_ =	strace $0x9FFFFFFF  }
0xc2: {  	(tm) =	ssettm $0x7FFFFFFF  }
0xc3: {  	_ =	shalt  }
tec
execute0_lowered:
.L_overlay_start_1:
0x0: {  	(tag) =	ssettag $0x1  }
0x1: {  	s3 =	rddreg [dreg:$0x0]  }
0x2: {  	s4 =	rddreg [dreg:$0x1]  }
0x3: {  	s0 =	rddreg [dreg:$0x2];
	s5 =	srdreg.scid  }
0x4: {  	s1 =	stileid.u32;
	s2 =	simm.s32 $0x0;
	s9 =	simm.s32 $0x1000  }
0x5: {  	s10 =	simm.s32 $0xC3800;
	s11 =	simm.s32 $0x1;
	s12 =	simm.s32 $0x8000  }
0x6: {  	s13 =	simm.s32 $0x0;
	s5 =	sand.u32 $0x1, s5;
	s6 =	sshll.u32 s1, $0x1  }
0x7: {  	[smem:$0x7FF] =	sst s2;
	s6 =	sor.u32 s5, s6;
	s5 =	ssub.s32 $0x2, s5  }
0x8: {  	_ =	strace $0x80000047;
	s7 =	sshll.u32 s6, $0x4;
	s31 =	sshrl.u32 s5, $0x1  }
0x9: {  	s6 =	sshll.u32 s6, $0xB;
	s4 =	sadd.s32 s7, s4;
	s5 =	ssub.s32 s5, s31  }
0xa: {  	s3 =	sadd.s32 s3, s6;
	s4 =	sadd.s32 $0x400, s4;
	s5 =	smax.u32 s5, $0x1  }
0xb: {  	s6 =	sadd.s32 $0x200, s3;
	s7 =	sadd.s32 $0x400, s3;
	s8 =	sadd.s32 $0x600, s3  }
.LBB2_1:
0xc: {  	[tilespmem:s2], [sflag:$0x1] =	stream.strided.gather [hbm4b:s3+s9], $0x8000, s10, s9, $0x38;
	[tilespmem:$0x8080] =	vst v63  }
0xd: {  	s14 =	simm.s32 $0x0  }
0xe: {  	s15 =	sand.u32 $0xC00, s2;
	s16 =	simm.s32 $0x0;
	s14 =	sand.u32 $0x7000, s14  }
0xf: {  	_ =	swait.ge [sflag:s11], $0x8000;
	s16 =	sand.u32 $0x380, s16;
	s14 =	sor.u32 s15, s14  }
0x10: {  	s22 =	sand.u32 $0x70, s2;
	[sflag:s11] =	ssyncset.done $0x0;
	s14 =	sor.u32 s16, s14  }
0x11: {  	[sflag:s11] =	ssyncadd.s32 $0xFFFF8000;
	s14 =	sor.u32 s22, s14  }
0x12: {  	v0 =	vld [tilespmem:s14+$0x0]  }
0x13: {  	s23 =	simm.s32 $0x80;
	s24 =	simm.s32 $0x10  }
0x14: {  	s17 =	simm.s32 $0x4;
	s15 =	sand.u32 $0xC00, s23;
	s16 =	sand.u32 $0x7000, s24  }
0x15: {  	s25 =	simm.s32 $0x10;
	s17 =	sand.u32 $0x380, s17;
	s15 =	sor.u32 s15, s16  }
0x16: {  	s26 =	sand.u32 $0x70, s25;
	s15 =	sor.u32 s17, s15  }
0x17: {  	s14 =	sor.u32 s26, s15;
	v2 =	vmul.f32 $1.442695020e+00, v0  }
0x18: {  	s28 =	simm.s32 $0x100;
	s29 =	simm.s32 $0x20;
	v1 =	vld [tilespmem:s14+$0x0]  }
0x19: {  	s30 =	simm.s32 $0x8;
	s15 =	sand.u32 $0x7000, s29;
	s14 =	sand.u32 $0xC00, s28;
	(erf) = vpow2.f32 v2  }
0x1a: {  	s16 =	sand.u32 $0x380, s30;
	s15 =	sor.u32 s14, s15;
	s14 =	simm.s32 $0x20  }
0x1b: {  	s31 =	sand.u32 $0x70, s14;
	s15 =	sor.u32 s16, s15  }
0x1c: {  	s16 =	sor.u32 s31, s15  }
0x1d: {  	v0 =	vimm.f32 $0.0e+00;
	s15 =	simm.s32 $0x3;
	v2 =	vmul.f32 $1.442695020e+00, v1;
	v1 =	vld [tilespmem:s16+$0x0];
	s16 =	simm.s32 $0x180  }
.LBB2_2:
0x1e: {  	s17 =	sshll.u32 s15, $0x4;
	p0 =	sne.s32 s15, $0x7FF  }
0x1f: {  	(erf) = vpow2.f32 v2;
	s18 =	smov.u32 s15;
	s15 =	sadd.s32 $0x1, s15;
	s19 =	sand.u32 $0xC00, s16  }
.Ltmp0:
0x20: {  	s17 =	sand.u32 $0x7000, s17;
	s18 =	sshll.u32 s18, $0x2;
	(pc) =	sbr.rel @p0 .LBB2_2-.Ltmp0, $4  }
0x21: {  	s14 =	sadd.s32 $0x10, s14;
	s18 =	sand.u32 $0x380, s18;
	s17 =	sor.u32 s19, s17  }
0x22: {  	s19 =	sand.u32 $0x70, s14;
	s17 =	sor.u32 s18, s17;
	v3 =	vpop (erf)  }
0x23: {  	s17 =	sor.u32 s19, s17;
	v2 =	vmul.f32 $1.442695020e+00, v1;
	v0 =	vadd.f32 v3, v0  }
0x24: {  	s16 =	sadd.s32 $0x80, s16;
	v1 =	vld [tilespmem:s17+$0x0]  }
0x25: {  	_ =	sdelay $0x3  }
0x26: {  	v1 =	vmul.f32 $1.442695020e+00, v1  }
0x27: {  	(erf) = vpow2.f32 v2  }
0x28: {  	(erf) = vpow2.f32 v1;
	_ =	sdelay $0x6  }
0x29: {  	s14 =	simm.s32 $0x0;
	s15 =	simm.s32 $0x0;
	v1 =	vpop (erf)  }
0x2a: {  	[tilespmem:s14], [sflag:$0x1] =	stream.strided.gather [hbm4b:s6+s9], $0x8000, s10, s9, $0x38;
	v2 =	vpop (erf);
	[tilespmem:$0x8080] =	vst v63  }
0x2b: {  	s17 =	simm.s32 $0x0;
	s15 =	sand.u32 $0x7000, s15;
	s16 =	sand.u32 $0xC00, s14;
	v3 =	vpop (erf)  }
0x2c: {  	s17 =	sand.u32 $0x380, s17;
	s15 =	sor.u32 s16, s15;
	_ =	swait.ge [sflag:s11], $0x8000  }
0x2d: {  	s14 =	sand.u32 $0x70, s14;
	s15 =	sor.u32 s17, s15;
	[sflag:s11] =	ssyncset.done $0x0  }
0x2e: {  	s14 =	sor.u32 s14, s15;
	[sflag:s11] =	ssyncadd.s32 $0xFFFF8000  }
0x2f: {  	v4 =	vld [tilespmem:s14+$0x0]  }
0x30: {  	s22 =	simm.s32 $0x80;
	s23 =	simm.s32 $0x10  }
0x31: {  	s24 =	simm.s32 $0x4;
	s16 =	sand.u32 $0x7000, s23;
	s15 =	sand.u32 $0xC00, s22  }
0x32: {  	s25 =	simm.s32 $0x10;
	s17 =	sand.u32 $0x380, s24;
	s15 =	sor.u32 s15, s16  }
0x33: {  	s26 =	sand.u32 $0x70, s25;
	s15 =	sor.u32 s17, s15  }
0x34: {  	v0 =	vadd.f32 v1, v0;
	s14 =	sor.u32 s26, s15;
	v1 =	vmul.f32 $1.442695020e+00, v4  }
0x35: {  	s28 =	simm.s32 $0x100;
	s29 =	simm.s32 $0x20;
	v5 =	vld [tilespmem:s14+$0x0]  }
0x36: {  	s30 =	simm.s32 $0x8;
	s15 =	sand.u32 $0x7000, s29;
	s14 =	sand.u32 $0xC00, s28;
	(erf) = vpow2.f32 v1  }
0x37: {  	s16 =	sand.u32 $0x380, s30;
	s15 =	sor.u32 s14, s15;
	s14 =	simm.s32 $0x20  }
0x38: {  	v0 =	vadd.f32 v2, v0;
	s31 =	sand.u32 $0x70, s14;
	s15 =	sor.u32 s16, s15  }
0x39: {  	s16 =	sor.u32 s31, s15  }
0x3a: {  	v0 =	vadd.f32 v3, v0;
	s15 =	simm.s32 $0x3;
	v2 =	vmul.f32 $1.442695020e+00, v5;
	v1 =	vld [tilespmem:s16+$0x0];
	s16 =	simm.s32 $0x180  }
.LBB2_4:
0x3b: {  	s17 =	sshll.u32 s15, $0x4;
	p0 =	sne.s32 s15, $0x7FF  }
0x3c: {  	(erf) = vpow2.f32 v2;
	s18 =	smov.u32 s15;
	s15 =	sadd.s32 $0x1, s15;
	s19 =	sand.u32 $0xC00, s16  }
.Ltmp1:
0x3d: {  	s17 =	sand.u32 $0x7000, s17;
	s18 =	sshll.u32 s18, $0x2;
	(pc) =	sbr.rel @p0 .LBB2_4-.Ltmp1, $4  }
0x3e: {  	s14 =	sadd.s32 $0x10, s14;
	s18 =	sand.u32 $0x380, s18;
	s17 =	sor.u32 s19, s17  }
0x3f: {  	s19 =	sand.u32 $0x70, s14;
	s17 =	sor.u32 s18, s17;
	v3 =	vpop (erf)  }
0x40: {  	s17 =	sor.u32 s19, s17;
	v2 =	vmul.f32 $1.442695020e+00, v1;
	v0 =	vadd.f32 v3, v0  }
0x41: {  	s16 =	sadd.s32 $0x80, s16;
	v1 =	vld [tilespmem:s17+$0x0]  }
0x42: {  	_ =	sdelay $0x3  }
0x43: {  	v1 =	vmul.f32 $1.442695020e+00, v1  }
0x44: {  	(erf) = vpow2.f32 v2  }
0x45: {  	(erf) = vpow2.f32 v1;
	_ =	sdelay $0x6  }
0x46: {  	s14 =	simm.s32 $0x0;
	s15 =	simm.s32 $0x0;
	v1 =	vpop (erf)  }
0x47: {  	[tilespmem:s14], [sflag:$0x1] =	stream.strided.gather [hbm4b:s7+s9], $0x8000, s10, s9, $0x38;
	v2 =	vpop (erf);
	[tilespmem:$0x8080] =	vst v63  }
0x48: {  	s17 =	simm.s32 $0x0;
	s15 =	sand.u32 $0x7000, s15;
	s16 =	sand.u32 $0xC00, s14;
	v3 =	vpop (erf)  }
0x49: {  	s17 =	sand.u32 $0x380, s17;
	s15 =	sor.u32 s16, s15;
	_ =	swait.ge [sflag:s11], $0x8000  }
0x4a: {  	s14 =	sand.u32 $0x70, s14;
	s15 =	sor.u32 s17, s15;
	[sflag:s11] =	ssyncset.done $0x0  }
0x4b: {  	s14 =	sor.u32 s14, s15;
	[sflag:s11] =	ssyncadd.s32 $0xFFFF8000  }
0x4c: {  	v4 =	vld [tilespmem:s14+$0x0]  }
0x4d: {  	s22 =	simm.s32 $0x80;
	s23 =	simm.s32 $0x10  }
0x4e: {  	s24 =	simm.s32 $0x4;
	s16 =	sand.u32 $0x7000, s23;
	s15 =	sand.u32 $0xC00, s22  }
0x4f: {  	s25 =	simm.s32 $0x10;
	s17 =	sand.u32 $0x380, s24;
	s15 =	sor.u32 s15, s16  }
0x50: {  	s26 =	sand.u32 $0x70, s25;
	s15 =	sor.u32 s17, s15  }
0x51: {  	v0 =	vadd.f32 v1, v0;
	s14 =	sor.u32 s26, s15;
	v1 =	vmul.f32 $1.442695020e+00, v4  }
0x52: {  	s28 =	simm.s32 $0x100;
	s29 =	simm.s32 $0x20;
	v5 =	vld [tilespmem:s14+$0x0]  }
0x53: {  	s30 =	simm.s32 $0x8;
	s15 =	sand.u32 $0x7000, s29;
	s14 =	sand.u32 $0xC00, s28;
	(erf) = vpow2.f32 v1  }
0x54: {  	s16 =	sand.u32 $0x380, s30;
	s15 =	sor.u32 s14, s15;
	s14 =	simm.s32 $0x20  }
0x55: {  	v0 =	vadd.f32 v2, v0;
	s31 =	sand.u32 $0x70, s14;
	s15 =	sor.u32 s16, s15  }
0x56: {  	s16 =	sor.u32 s31, s15  }
0x57: {  	v0 =	vadd.f32 v3, v0;
	s15 =	simm.s32 $0x3;
	v2 =	vmul.f32 $1.442695020e+00, v5;
	v1 =	vld [tilespmem:s16+$0x0];
	s16 =	simm.s32 $0x180  }
.LBB2_6:
0x58: {  	s17 =	sshll.u32 s15, $0x4;
	p0 =	sne.s32 s15, $0x7FF  }
0x59: {  	(erf) = vpow2.f32 v2;
	s18 =	smov.u32 s15;
	s15 =	sadd.s32 $0x1, s15;
	s19 =	sand.u32 $0xC00, s16  }
.Ltmp2:
0x5a: {  	s17 =	sand.u32 $0x7000, s17;
	s18 =	sshll.u32 s18, $0x2;
	(pc) =	sbr.rel @p0 .LBB2_6-.Ltmp2, $4  }
0x5b: {  	s14 =	sadd.s32 $0x10, s14;
	s18 =	sand.u32 $0x380, s18;
	s17 =	sor.u32 s19, s17  }
0x5c: {  	s19 =	sand.u32 $0x70, s14;
	s17 =	sor.u32 s18, s17;
	v3 =	vpop (erf)  }
0x5d: {  	s17 =	sor.u32 s19, s17;
	v2 =	vmul.f32 $1.442695020e+00, v1;
	v0 =	vadd.f32 v3, v0  }
0x5e: {  	s16 =	sadd.s32 $0x80, s16;
	v1 =	vld [tilespmem:s17+$0x0]  }
0x5f: {  	_ =	sdelay $0x3  }
0x60: {  	v1 =	vmul.f32 $1.442695020e+00, v1  }
0x61: {  	(erf) = vpow2.f32 v2  }
0x62: {  	(erf) = vpow2.f32 v1;
	_ =	sdelay $0x6  }
0x63: {  	s14 =	simm.s32 $0x0;
	s15 =	simm.s32 $0x0;
	v1 =	vpop (erf)  }
0x64: {  	[tilespmem:s14], [sflag:$0x1] =	stream.strided.gather [hbm4b:s8+s9], $0x8000, s10, s9, $0x38;
	v2 =	vpop (erf);
	[tilespmem:$0x8080] =	vst v63  }
0x65: {  	s17 =	simm.s32 $0x0;
	s15 =	sand.u32 $0x7000, s15;
	s16 =	sand.u32 $0xC00, s14;
	v3 =	vpop (erf)  }
0x66: {  	s17 =	sand.u32 $0x380, s17;
	s15 =	sor.u32 s16, s15;
	_ =	swait.ge [sflag:s11], $0x8000  }
0x67: {  	s14 =	sand.u32 $0x70, s14;
	s15 =	sor.u32 s17, s15;
	[sflag:s11] =	ssyncset.done $0x0  }
0x68: {  	s14 =	sor.u32 s14, s15;
	[sflag:s11] =	ssyncadd.s32 $0xFFFF8000  }
0x69: {  	v4 =	vld [tilespmem:s14+$0x0]  }
0x6a: {  	s22 =	simm.s32 $0x80;
	s23 =	simm.s32 $0x10  }
0x6b: {  	s24 =	simm.s32 $0x4;
	s16 =	sand.u32 $0x7000, s23;
	s15 =	sand.u32 $0xC00, s22  }
0x6c: {  	s25 =	simm.s32 $0x10;
	s17 =	sand.u32 $0x380, s24;
	s15 =	sor.u32 s15, s16  }
0x6d: {  	s26 =	sand.u32 $0x70, s25;
	s15 =	sor.u32 s17, s15  }
0x6e: {  	v0 =	vadd.f32 v1, v0;
	s14 =	sor.u32 s26, s15;
	v1 =	vmul.f32 $1.442695020e+00, v4  }
0x6f: {  	s28 =	simm.s32 $0x100;
	s29 =	simm.s32 $0x20;
	v5 =	vld [tilespmem:s14+$0x0]  }
0x70: {  	s30 =	simm.s32 $0x8;
	s15 =	sand.u32 $0x7000, s29;
	s14 =	sand.u32 $0xC00, s28;
	(erf) = vpow2.f32 v1  }
0x71: {  	s16 =	sand.u32 $0x380, s30;
	s15 =	sor.u32 s14, s15;
	s14 =	simm.s32 $0x20  }
0x72: {  	v0 =	vadd.f32 v2, v0;
	s31 =	sand.u32 $0x70, s14;
	s15 =	sor.u32 s16, s15  }
0x73: {  	s16 =	sor.u32 s31, s15  }
0x74: {  	v0 =	vadd.f32 v3, v0;
	s15 =	simm.s32 $0x3;
	v2 =	vmul.f32 $1.442695020e+00, v5;
	v1 =	vld [tilespmem:s16+$0x0];
	s16 =	simm.s32 $0x180  }
.LBB2_8:
0x75: {  	s17 =	sshll.u32 s15, $0x4;
	p0 =	sne.s32 s15, $0x7FF  }
0x76: {  	(erf) = vpow2.f32 v2;
	s18 =	smov.u32 s15;
	s15 =	sadd.s32 $0x1, s15;
	s19 =	sand.u32 $0xC00, s16  }
.Ltmp3:
0x77: {  	s17 =	sand.u32 $0x7000, s17;
	s18 =	sshll.u32 s18, $0x2;
	(pc) =	sbr.rel @p0 .LBB2_8-.Ltmp3, $4  }
0x78: {  	s14 =	sadd.s32 $0x10, s14;
	s18 =	sand.u32 $0x380, s18;
	s17 =	sor.u32 s19, s17  }
0x79: {  	s19 =	sand.u32 $0x70, s14;
	s17 =	sor.u32 s18, s17;
	v3 =	vpop (erf)  }
0x7a: {  	s17 =	sor.u32 s19, s17;
	v2 =	vmul.f32 $1.442695020e+00, v1;
	v0 =	vadd.f32 v3, v0  }
0x7b: {  	s16 =	sadd.s32 $0x80, s16;
	v1 =	vld [tilespmem:s17+$0x0]  }
0x7c: {  	_ =	sdelay $0x3  }
0x7d: {  	(erf) = vpow2.f32 v2;
	v1 =	vmul.f32 $1.442695020e+00, v1;
	_ =	sdelay $0x1  }
0x7e: {  	(erf) = vpow2.f32 v1;
	_ =	sdelay $0x4  }
0x7f: {  	v61 =	vpop (erf)  }
0x80: {  	v0 =	vadd.f32 v61, v0  }
0x81: {  	v62 =	vpop (erf)  }
0x82: {  	v0 =	vadd.f32 v62, v0  }
0x83: {  	v63 =	vpop (erf)  }
0x84: {  	s13 =	sadd.s32 $0x1, s13;
	v0 =	vadd.f32 v63, v0  }
0x85: {  	p0 =	sne.s32 s13, s5  }
.Ltmp4:
0x86: {  	[tilespmem:$0x8000] =	vst v0;
	(pc) =	sbr.rel @p0 .LBB2_1-.Ltmp4, $4  }
0x87: {  	[hbm4b:s4+s2] =	stream.linear.scatter [tilespmem:s12], [sflag:$0x1], $0x80, $0x38;
	[tilespmem:$0x8080] =	vst v63  }
0x88: {  	_ =	swait.ge [sflag:s11], $0x80  }
0x89: {  	[sflag:s11] =	ssyncset.done $0x0  }
0x8a: {  	[sflag:s11] =	ssyncadd.s32 $0xFFFFFF80  }
0x8b: {  	_ =	sfence.sel $0x180000  }
0x8c: {  	[bflag:$0x0] =	sbarrier.arrive $0xFFFF  }
0x8d: {  	p0 =	sne.s32 s1, $0x0;
	_ =	strace $0x90000047  }
0x8e: {  	s0 =	sadd.s32 @!p0 $0x100000, s0;
	[bflag:$0x2] =	sbarrier.arrive $0xFFFF  }
0x8f: {  	[sflag:s0] =	ssyncadd.tile.s32 @!p0 $0x1;
	_ =	shalt  }
.Lfunc_end2:
_tile_overlayer_lowered:
.L_overlay_start_2:
0x90: {  	(tag) =	ssettag $0x2  }
0x91: {  	s0 =	rddreg [dreg:$0x0];
	s2 =	stileid.u32  }
0x92: {  	s1 =	rddreg [dreg:$0x1];
	p0 =	sne.s32 s2, $0x0  }
0x93: {  	s3 =	rddreg [dreg:$0x2];
	[bflag:$0x3] =	sbarrier.arrive $0xFFFF;
	s2 =	simm.s32 @!p0 $0x1C01  }
0x94: {  	[timem:s3], [sflag:s2] =	dma.local @!p0 [hbm:s0], s1  }
0x95: {  	s0 =	simm.s32 @!p0 $0x1  }
0x96: {  	_ =	swait.ge @!p0 [sflag:s0], s1  }
0x97: {  	s1 =	ssub.s32 @!p0 $0x0, s1;
	[sflag:s0] =	ssyncset.done @!p0 $0x0  }
0x98: {  	[sflag:s0] =	ssyncadd.s32 @!p0 s1  }
0x99: {  	[bflag:$0x3] =	sbarrier.arrive $0xFFFF  }
0x9a: {  	_ =	shalt  }

</sc_bundles>
